<compile_context>
chip_gen: v7x
topology: tpu7x:2x2x1
jax: 0.10.2.dev20260603
libtpu: 0.0.44.dev20260713+nightly
codegen_flags: <defaults>
</compile_context>

<pallas_src>
import functools

import jax
import jax.numpy as jnp
from jax import lax
from jax.experimental import pallas as pl
from jax.experimental.pallas import tpu as pltpu
from jax.experimental.pallas import tpu_sc as plsc

_PATCH = 16
_CONST = 0.7
_C, _H, _W = 3, 512, 512
_NH, _NW = _H // _PATCH, _W // _PATCH
_LANES = 16


def _body(n_idx, img_hbm, idx_hbm, out_hbm, idx_v, buf, isem, osem, isem2, osem2):
    ci = lax.axis_index("c")
    si = lax.axis_index("s")
    wid = si * 2 + ci

    half0 = pl.ds(wid * _PATCH, _PATCH // 2)
    half1 = pl.ds(wid * _PATCH + _PATCH // 2, _PATCH // 2)
    load0 = pltpu.async_copy(img_hbm.at[:, half0, :], buf.at[:, pl.ds(0, 8)], isem)
    load1 = pltpu.async_copy(img_hbm.at[:, half1, :], buf.at[:, pl.ds(8, 8)], isem2)
    pltpu.sync_copy(idx_hbm, idx_v.at[pl.ds(0, n_idx)])

    nk = (n_idx + _LANES - 1) // _LANES
    iota = lax.iota(jnp.int32, _LANES)

    def bit_step(k, acc):
        p = idx_v[pl.ds(k * _LANES, _LANES)]
        valid = (iota + k * _LANES) < n_idx
        m = jnp.logical_and(valid, jnp.right_shift(p, 5) == wid)
        pw = jnp.bitwise_and(p, _NW - 1)
        return jnp.bitwise_or(acc, jnp.where(m, jnp.left_shift(1, pw), 0))

    acc = lax.fori_loop(0, nk, bit_step, jnp.zeros((_LANES,), jnp.int32))
    lanes = [acc[l] for l in range(_LANES)]
    while len(lanes) > 1:
        lanes = [
            jnp.bitwise_or(lanes[i], lanes[i + 1]) if i + 1 < len(lanes)
            else lanes[i]
            for i in range(0, len(lanes), 2)
        ]
    bits = lanes[0]

    cvec = jnp.full((_LANES,), _CONST, jnp.float32)

    def make_col_step(r0):
        def col_step(j, carry):
            @pl.when(jnp.bitwise_and(jnp.right_shift(bits, j), 1) != 0)
            def _erase():
                def row_step(r, rc):
                    for c in range(_C):
                        buf[c, r0 + r, pl.ds(j * _PATCH, _PATCH)] = cvec
                    return rc
                lax.fori_loop(0, _PATCH // 2, row_step, 0)
            return carry
        return col_step

    load0.wait()
    lax.fori_loop(0, _NW, make_col_step(0), 0)
    st0 = pltpu.async_copy(buf.at[:, pl.ds(0, 8)], out_hbm.at[:, half0, :], osem)
    load1.wait()
    lax.fori_loop(0, _NW, make_col_step(8), 0)
    st1 = pltpu.async_copy(buf.at[:, pl.ds(8, 8)], out_hbm.at[:, half1, :], osem2)
    st0.wait()
    st1.wait()


def kernel(img, erase_indices):
    n_idx = erase_indices.shape[0]
    n_pad = ((n_idx + _LANES - 1) // _LANES) * _LANES
    mesh = plsc.VectorSubcoreMesh(
        core_axis_name="c", subcore_axis_name="s", num_cores=2, num_subcores=16
    )
    run = functools.partial(
        pl.kernel,
        out_type=jax.ShapeDtypeStruct((_C, _H, _W), jnp.float32),
        mesh=mesh,
        scratch_types=[
            pltpu.VMEM((n_pad,), jnp.int32),
            pltpu.VMEM((_C, _PATCH, _W), jnp.float32),
            pltpu.SemaphoreType.DMA,
            pltpu.SemaphoreType.DMA,
            pltpu.SemaphoreType.DMA,
            pltpu.SemaphoreType.DMA,
        ],
    )(functools.partial(_body, n_idx))
    return run(img, erase_indices.astype(jnp.int32))

# --- scband reference (transcript-rebuilt; emitter-appended) ---
"""Pipeline reference for scband-patchwise-random-erasing-25821343384267 (READ-ONLY COPY).

The authoritative reference and input builder live on the scoring server;
editing this copy changes nothing except your own understanding.
"""

import jax, jax.numpy as jnp
import numpy as np

PATCH = 16
ERASE_RATIO = 0.3
CONST_VALUE = 0.7
C, H, W = 3, 512, 512


def setup_inputs(seed: int = 0) -> dict:
    key = jax.random.key(seed)
    k1, k2 = jax.random.split(key)
    img = jax.random.normal(k1, (C, H, W), dtype=jnp.float32)
    nh, nw = H // PATCH, W // PATCH
    total_patches = nh * nw
    num_erase = int(total_patches * ERASE_RATio) if False else int(total_patches * ERASE_RATIO)
    # random.sample -> sample without replacement: take prefix of a permutation
    perm = jax.random.permutation(k2, total_patches)
    erase_indices = perm[:num_erase].astype(jnp.int32)
    return {"img": img, "erase_indices": erase_indices}


def reference(img, erase_indices):
    c, h, w = img.shape
    ph = pw = PATCH
    nh, nw = h // ph, w // pw
    # view image as [num_patches, C, ph, pw]
    patches = img.reshape(c, nh, ph, nw, pw).transpose(1, 3, 0, 2, 4).reshape(nh * nw, c, ph, pw)
    # mode='constant': every selected patch overwritten with constant_value
    erase_val = jnp.full((c, ph, pw), CONST_VALUE, dtype=img.dtype)
    num = erase_indices.shape[0]
    vals = jnp.broadcast_to(erase_val, (num, c, ph, pw))
    # scatter-overwrite (indices are unique, matching random.sample semantics)
    patches = patches.at[erase_indices].set(vals)
    out = patches.reshape(nh, nw, c, ph, pw).transpose(2, 0, 3, 1, 4).reshape(c, h, w)
    return out

if __name__ == "__main__":
    import jax
    _d = setup_inputs()
    print(jax.jit(kernel)(*tuple(_d.values())))

</pallas_src>

<mosaic_0001>
#map = affine_map<(d0, d1) -> (0, 0, 0)>
#map1 = affine_map<(d0, d1) -> (0)>
module attributes {stable_mosaic.version = 14 : i64} {
  func.func @_body(%arg0: i32, %arg1: i32, %arg2: memref<3x512x512xf32, #tpu.memory_space<hbm>>, %arg3: memref<307xi32, #tpu.memory_space<hbm>>, %arg4: memref<3x512x512xf32, #tpu.memory_space<hbm>>, %arg5: memref<320xi32, #tpu.memory_space<vmem>>, %arg6: memref<3x16x512xf32, #tpu.memory_space<vmem>>, %arg7: memref<!tpu.dma_semaphore, #tpu.memory_space<semaphore_mem>>, %arg8: memref<!tpu.dma_semaphore, #tpu.memory_space<semaphore_mem>>, %arg9: memref<!tpu.dma_semaphore, #tpu.memory_space<semaphore_mem>>, %arg10: memref<!tpu.dma_semaphore, #tpu.memory_space<semaphore_mem>>) attributes {dimension_semantics = [#tpu.dimension_semantics<core_parallel>, #tpu.dimension_semantics<subcore_parallel>], iteration_bounds = array<i64: 2, 16>, scalar_prefetch = 0 : i64, scratch_operands = 6 : i64, tpu.core_type = #tpu.core_type<sc_vector_subcore>, window_params = [{transform_indices = #map}, {transform_indices = #map1}, {transform_indices = #map}]} {
    %mul3A = arith.constant 2 : i32
    %mul3A_0 = arith.muli %arg1, %mul3A : i32
    %add3A = arith.addi %mul3A_0, %arg0 : i32
    %mul3A_1 = arith.constant 16 : i32
    %mul3A_2 = arith.muli %add3A, %mul3A_1 : i32
    %mul3A_3 = arith.constant 16 : i32
    %mul3A_4 = arith.muli %add3A, %mul3A_3 : i32
    %add3A_5 = arith.constant 8 : i32
    %add3A_6 = arith.addi %mul3A_4, %add3A_5 : i32
    %dma_start3A = arith.constant 0 : i32
    %dma_start3A_7 = arith.constant 0 : i32
    %dma_start3A_8 = arith.constant 0 : i32
    %dma_start3A_9 = tpu.memref_slice %arg6[%dma_start3A, %dma_start3A_7, %dma_start3A_8] : memref<3x16x512xf32, #tpu.memory_space<vmem>> -> memref<3x8x512xf32, #tpu.memory_space<vmem>>
    %dma_start3A_10 = arith.constant 0 : i32
    %dma_start3A_11 = arith.constant 0 : i32
    %dma_start3A_12 = tpu.memref_slice %arg2[%dma_start3A_10, %mul3A_2, %dma_start3A_11] : memref<3x512x512xf32, #tpu.memory_space<hbm>> -> memref<3x8x512xf32, #tpu.memory_space<hbm>>
    %dma_start3A_13 = arith.constant 0 : i32
    %dma_start3A_14 = arith.constant 0 : i32
    %dma_start3A_15 = arith.constant 0 : i32
    %dma_start3A_16 = tpu.memref_slice %arg6[%dma_start3A_13, %dma_start3A_14, %dma_start3A_15] : memref<3x16x512xf32, #tpu.memory_space<vmem>> -> memref<3x8x512xf32, #tpu.memory_space<vmem>>
    %dma_start3A_17 = arith.constant 0 : i32
    %dma_start3A_18 = arith.constant 0 : i32
    %dma_start3A_19 = tpu.memref_slice %arg2[%dma_start3A_17, %mul3A_2, %dma_start3A_18] : memref<3x512x512xf32, #tpu.memory_space<hbm>> -> memref<3x8x512xf32, #tpu.memory_space<hbm>>
    tpu.enqueue_dma source(%dma_start3A_19 : memref<3x8x512xf32, #tpu.memory_space<hbm>>) target(%dma_start3A_16 : memref<3x8x512xf32, #tpu.memory_space<vmem>>) target_semaphore(%arg7 : memref<!tpu.dma_semaphore, #tpu.memory_space<semaphore_mem>>)
    %dma_start3A_20 = arith.constant 0 : i32
    %dma_start3A_21 = arith.constant 8 : i32
    %dma_start3A_22 = arith.constant 0 : i32
    %dma_start3A_23 = tpu.memref_slice %arg6[%dma_start3A_20, %dma_start3A_21, %dma_start3A_22] : memref<3x16x512xf32, #tpu.memory_space<vmem>> -> memref<3x8x512xf32, #tpu.memory_space<vmem>>
    %dma_start3A_24 = arith.constant 0 : i32
    %dma_start3A_25 = arith.constant 0 : i32
    %dma_start3A_26 = tpu.memref_slice %arg2[%dma_start3A_24, %add3A_6, %dma_start3A_25] : memref<3x512x512xf32, #tpu.memory_space<hbm>> -> memref<3x8x512xf32, #tpu.memory_space<hbm>>
    %dma_start3A_27 = arith.constant 0 : i32
    %dma_start3A_28 = arith.constant 8 : i32
    %dma_start3A_29 = arith.constant 0 : i32
    %dma_start3A_30 = tpu.memref_slice %arg6[%dma_start3A_27, %dma_start3A_28, %dma_start3A_29] : memref<3x16x512xf32, #tpu.memory_space<vmem>> -> memref<3x8x512xf32, #tpu.memory_space<vmem>>
    %dma_start3A_31 = arith.constant 0 : i32
    %dma_start3A_32 = arith.constant 0 : i32
    %dma_start3A_33 = tpu.memref_slice %arg2[%dma_start3A_31, %add3A_6, %dma_start3A_32] : memref<3x512x512xf32, #tpu.memory_space<hbm>> -> memref<3x8x512xf32, #tpu.memory_space<hbm>>
    tpu.enqueue_dma source(%dma_start3A_33 : memref<3x8x512xf32, #tpu.memory_space<hbm>>) target(%dma_start3A_30 : memref<3x8x512xf32, #tpu.memory_space<vmem>>) target_semaphore(%arg9 : memref<!tpu.dma_semaphore, #tpu.memory_space<semaphore_mem>>)
    "tpu.region"() ({
      %run_scoped3A = tpu.sem_alloc : memref<!tpu.dma_semaphore, #tpu.memory_space<semaphore_mem>>
      %dma_start3A_181 = arith.constant 0 : i32
      %dma_start3A_182 = tpu.memref_slice %arg5[%dma_start3A_181] : memref<320xi32, #tpu.memory_space<vmem>> -> memref<307xi32, #tpu.memory_space<vmem>>
      %dma_start3A_183 = arith.constant 0 : i32
      %dma_start3A_184 = tpu.memref_slice %arg5[%dma_start3A_183] : memref<320xi32, #tpu.memory_space<vmem>> -> memref<307xi32, #tpu.memory_space<vmem>>
      tpu.enqueue_dma source(%arg3 : memref<307xi32, #tpu.memory_space<hbm>>) target(%dma_start3A_184 : memref<307xi32, #tpu.memory_space<vmem>>) target_semaphore(%run_scoped3A : memref<!tpu.dma_semaphore, #tpu.memory_space<semaphore_mem>>)
      %dma_wait3A_185 = arith.constant 0 : i32
      %dma_wait3A_186 = tpu.memref_slice %arg5[%dma_wait3A_185] : memref<320xi32, #tpu.memory_space<vmem>> -> memref<307xi32, #tpu.memory_space<vmem>>
      %dma_wait3A_187 = arith.constant 0 : i32
      %dma_wait3A_188 = tpu.memref_slice %arg5[%dma_wait3A_187] : memref<320xi32, #tpu.memory_space<vmem>> -> memref<307xi32, #tpu.memory_space<vmem>>
      tpu.wait_dma2 semaphore(%run_scoped3A : memref<!tpu.dma_semaphore, #tpu.memory_space<semaphore_mem>>) src(%arg3 : memref<307xi32, #tpu.memory_space<hbm>>) dst(%dma_wait3A_188 : memref<307xi32, #tpu.memory_space<vmem>>)
      tpu.yield
    }) : () -> ()
    %iota3A = tpu.iota {dimensions = array<i32: 0>} : vector<16xi32>
    %broadcast_in_dim3A = arith.constant 0 : i32
    %broadcast_in_dim3A_34 = vector.broadcast %broadcast_in_dim3A : i32 to vector<16xi32>
    %scan3A = arith.constant 0 : i32
    %scan3A_35 = arith.constant 20 : i32
    %scan3A_36 = arith.addi %scan3A, %scan3A_35 : i32
    %scan3A_37 = arith.constant 1 : i32
    %scan3A_38 = scf.for %scan3A_181 = %scan3A to %scan3A_36 step %scan3A_37 iter_args(%scan3A_182 = %broadcast_in_dim3A_34) -> (vector<16xi32>)  : i32 {
      %mul3A_183 = arith.constant 16 : i32
      %mul3A_184 = arith.muli %scan3A_181, %mul3A_183 : i32
      %get3A = arith.index_cast %mul3A_184 : i32 to index
      %get3A_185 = tpu.vector_load %arg5[%get3A] {strides = array<i32>} : memref<320xi32, #tpu.memory_space<vmem>>, vector<16xi32>,
      %get3A_186 = vector.shape_cast %get3A_185 : vector<16xi32> to vector<16xi32>
      %mul3A_187 = arith.constant 16 : i32
      %mul3A_188 = arith.muli %scan3A_181, %mul3A_187 : i32
      %add3A_189 = vector.broadcast %mul3A_188 : i32 to vector<16xi32>
      %add3A_190 = arith.addi %iota3A, %add3A_189 : vector<16xi32>
      %lt3A = arith.constant 307 : i32
      %lt3A_191 = vector.broadcast %lt3A : i32 to vector<16xi32>
      %lt3A_192 = arith.cmpi slt, %add3A_190, %lt3A_191 : vector<16xi32>
      %shift_right_arithmetic3A = arith.constant 5 : i32
      %shift_right_arithmetic3A_193 = vector.broadcast %shift_right_arithmetic3A : i32 to vector<16xi32>
      %shift_right_arithmetic3A_194 = arith.shrsi %get3A_186, %shift_right_arithmetic3A_193 : vector<16xi32>
      %eq3A = vector.broadcast %add3A : i32 to vector<16xi32>
      %eq3A_195 = arith.cmpi eq, %shift_right_arithmetic3A_194, %eq3A : vector<16xi32>
      %and3A = arith.andi %lt3A_192, %eq3A_195 : vector<16xi1>
      %and3A_196 = arith.constant 31 : i32
      %and3A_197 = vector.broadcast %and3A_196 : i32 to vector<16xi32>
      %and3A_198 = arith.andi %get3A_186, %and3A_197 : vector<16xi32>
      %shift_left3A = arith.constant 1 : i32
      %shift_left3A_199 = vector.broadcast %shift_left3A : i32 to vector<16xi32>
      %shift_left3A_200 = arith.shli %shift_left3A_199, %and3A_198 : vector<16xi32>
      %jit3A = arith.constant 0 : i32
      %broadcast_in_dim3A_201 = vector.broadcast %jit3A : i32 to vector<16xi32>
      %select_n3A = arith.select %and3A, %shift_left3A_200, %broadcast_in_dim3A_201 : vector<16xi1>, vector<16xi32>
      %or3A_202 = arith.ori %scan3A_182, %select_n3A : vector<16xi32>
      scf.yield %or3A_202 : vector<16xi32>
    }
    %scan3A_39 = arith.constant 20 : i32
    %slice3A = vector.extract_strided_slice %scan3A_38 {offsets = [0], sizes = [1], strides = [1]} : vector<16xi32> to vector<1xi32>
    %squeeze3A = vector.extract %slice3A[0] : i32 from vector<1xi32>
    %slice3A_40 = vector.extract_strided_slice %scan3A_38 {offsets = [1], sizes = [1], strides = [1]} : vector<16xi32> to vector<1xi32>
    %squeeze3A_41 = vector.extract %slice3A_40[0] : i32 from vector<1xi32>
    %slice3A_42 = vector.extract_strided_slice %scan3A_38 {offsets = [2], sizes = [1], strides = [1]} : vector<16xi32> to vector<1xi32>
    %squeeze3A_43 = vector.extract %slice3A_42[0] : i32 from vector<1xi32>
    %slice3A_44 = vector.extract_strided_slice %scan3A_38 {offsets = [3], sizes = [1], strides = [1]} : vector<16xi32> to vector<1xi32>
    %squeeze3A_45 = vector.extract %slice3A_44[0] : i32 from vector<1xi32>
    %slice3A_46 = vector.extract_strided_slice %scan3A_38 {offsets = [4], sizes = [1], strides = [1]} : vector<16xi32> to vector<1xi32>
    %squeeze3A_47 = vector.extract %slice3A_46[0] : i32 from vector<1xi32>
    %slice3A_48 = vector.extract_strided_slice %scan3A_38 {offsets = [5], sizes = [1], strides = [1]} : vector<16xi32> to vector<1xi32>
    %squeeze3A_49 = vector.extract %slice3A_48[0] : i32 from vector<1xi32>
    %slice3A_50 = vector.extract_strided_slice %scan3A_38 {offsets = [6], sizes = [1], strides = [1]} : vector<16xi32> to vector<1xi32>
    %squeeze3A_51 = vector.extract %slice3A_50[0] : i32 from vector<1xi32>
    %slice3A_52 = vector.extract_strided_slice %scan3A_38 {offsets = [7], sizes = [1], strides = [1]} : vector<16xi32> to vector<1xi32>
    %squeeze3A_53 = vector.extract %slice3A_52[0] : i32 from vector<1xi32>
    %slice3A_54 = vector.extract_strided_slice %scan3A_38 {offsets = [8], sizes = [1], strides = [1]} : vector<16xi32> to vector<1xi32>
    %squeeze3A_55 = vector.extract %slice3A_54[0] : i32 from vector<1xi32>
    %slice3A_56 = vector.extract_strided_slice %scan3A_38 {offsets = [9], sizes = [1], strides = [1]} : vector<16xi32> to vector<1xi32>
    %squeeze3A_57 = vector.extract %slice3A_56[0] : i32 from vector<1xi32>
    %slice3A_58 = vector.extract_strided_slice %scan3A_38 {offsets = [10], sizes = [1], strides = [1]} : vector<16xi32> to vector<1xi32>
    %squeeze3A_59 = vector.extract %slice3A_58[0] : i32 from vector<1xi32>
    %slice3A_60 = vector.extract_strided_slice %scan3A_38 {offsets = [11], sizes = [1], strides = [1]} : vector<16xi32> to vector<1xi32>
    %squeeze3A_61 = vector.extract %slice3A_60[0] : i32 from vector<1xi32>
    %slice3A_62 = vector.extract_strided_slice %scan3A_38 {offsets = [12], sizes = [1], strides = [1]} : vector<16xi32> to vector<1xi32>
    %squeeze3A_63 = vector.extract %slice3A_62[0] : i32 from vector<1xi32>
    %slice3A_64 = vector.extract_strided_slice %scan3A_38 {offsets = [13], sizes = [1], strides = [1]} : vector<16xi32> to vector<1xi32>
    %squeeze3A_65 = vector.extract %slice3A_64[0] : i32 from vector<1xi32>
    %slice3A_66 = vector.extract_strided_slice %scan3A_38 {offsets = [14], sizes = [1], strides = [1]} : vector<16xi32> to vector<1xi32>
    %squeeze3A_67 = vector.extract %slice3A_66[0] : i32 from vector<1xi32>
    %slice3A_68 = vector.extract_strided_slice %scan3A_38 {offsets = [15], sizes = [1], strides = [1]} : vector<16xi32> to vector<1xi32>
    %squeeze3A_69 = vector.extract %slice3A_68[0] : i32 from vector<1xi32>
    %or3A = arith.ori %squeeze3A, %squeeze3A_41 : i32
    %or3A_70 = arith.ori %squeeze3A_43, %squeeze3A_45 : i32
    %or3A_71 = arith.ori %squeeze3A_47, %squeeze3A_49 : i32
    %or3A_72 = arith.ori %squeeze3A_51, %squeeze3A_53 : i32
    %or3A_73 = arith.ori %squeeze3A_55, %squeeze3A_57 : i32
    %or3A_74 = arith.ori %squeeze3A_59, %squeeze3A_61 : i32
    %or3A_75 = arith.ori %squeeze3A_63, %squeeze3A_65 : i32
    %or3A_76 = arith.ori %squeeze3A_67, %squeeze3A_69 : i32
    %or3A_77 = arith.ori %or3A, %or3A_70 : i32
    %or3A_78 = arith.ori %or3A_71, %or3A_72 : i32
    %or3A_79 = arith.ori %or3A_73, %or3A_74 : i32
    %or3A_80 = arith.ori %or3A_75, %or3A_76 : i32
    %or3A_81 = arith.ori %or3A_77, %or3A_78 : i32
    %or3A_82 = arith.ori %or3A_79, %or3A_80 : i32
    %or3A_83 = arith.ori %or3A_81, %or3A_82 : i32
    %broadcast_in_dim3A_84 = arith.constant 0.699999988 : f32
    %broadcast_in_dim3A_85 = vector.broadcast %broadcast_in_dim3A_84 : f32 to vector<16xf32>
    %dma_wait3A = arith.constant 0 : i32
    %dma_wait3A_86 = arith.constant 0 : i32
    %dma_wait3A_87 = arith.constant 0 : i32
    %dma_wait3A_88 = tpu.memref_slice %arg6[%dma_wait3A, %dma_wait3A_86, %dma_wait3A_87] : memref<3x16x512xf32, #tpu.memory_space<vmem>> -> memref<3x8x512xf32, #tpu.memory_space<vmem>>
    %dma_wait3A_89 = arith.constant 0 : i32
    %dma_wait3A_90 = arith.constant 0 : i32
    %dma_wait3A_91 = tpu.memref_slice %arg2[%dma_wait3A_89, %mul3A_2, %dma_wait3A_90] : memref<3x512x512xf32, #tpu.memory_space<hbm>> -> memref<3x8x512xf32, #tpu.memory_space<hbm>>
    %dma_wait3A_92 = arith.constant 0 : i32
    %dma_wait3A_93 = arith.constant 0 : i32
    %dma_wait3A_94 = arith.constant 0 : i32
    %dma_wait3A_95 = tpu.memref_slice %arg6[%dma_wait3A_92, %dma_wait3A_93, %dma_wait3A_94] : memref<3x16x512xf32, #tpu.memory_space<vmem>> -> memref<3x8x512xf32, #tpu.memory_space<vmem>>
    %dma_wait3A_96 = arith.constant 0 : i32
    %dma_wait3A_97 = arith.constant 0 : i32
    %dma_wait3A_98 = tpu.memref_slice %arg2[%dma_wait3A_96, %mul3A_2, %dma_wait3A_97] : memref<3x512x512xf32, #tpu.memory_space<hbm>> -> memref<3x8x512xf32, #tpu.memory_space<hbm>>
    tpu.wait_dma2 semaphore(%arg7 : memref<!tpu.dma_semaphore, #tpu.memory_space<semaphore_mem>>) src(%dma_wait3A_98 : memref<3x8x512xf32, #tpu.memory_space<hbm>>) dst(%dma_wait3A_95 : memref<3x8x512xf32, #tpu.memory_space<vmem>>)
    %scan3A_99 = arith.constant 0 : i32
    %scan3A_100 = arith.constant 0 : i32
    %scan3A_101 = arith.constant 32 : i32
    %scan3A_102 = arith.addi %scan3A_100, %scan3A_101 : i32
    %scan3A_103 = arith.constant 1 : i32
    scf.for %scan3A_181 = %scan3A_100 to %scan3A_102 step %scan3A_103  : i32 {
      %shift_right_arithmetic3A = arith.shrsi %or3A_83, %scan3A_181 : i32
      %and3A = arith.constant 1 : i32
      %and3A_182 = arith.andi %shift_right_arithmetic3A, %and3A : i32
      %ne3A = arith.constant 0 : i32
      %ne3A_183 = arith.cmpi ne, %and3A_182, %ne3A : i32
      %convert_element_type3A = arith.extui %ne3A_183 : i1 to i32
      %cond3A = arith.constant 0 : i32
      %cond3A_184 = arith.cmpi ne, %convert_element_type3A, %cond3A : i32
      scf.if %cond3A_184 {
        %scan3A_185 = arith.constant 0 : i32
        %scan3A_186 = arith.constant 0 : i32
        %scan3A_187 = arith.constant 8 : i32
        %scan3A_188 = arith.addi %scan3A_186, %scan3A_187 : i32
        %scan3A_189 = arith.constant 1 : i32
        scf.for %scan3A_191 = %scan3A_186 to %scan3A_188 step %scan3A_189  : i32 {
          %add3A_192 = arith.constant 0 : i32
          %add3A_193 = arith.addi %add3A_192, %scan3A_191 : i32
          %mul3A_194 = arith.constant 16 : i32
          %mul3A_195 = arith.muli %scan3A_181, %mul3A_194 : i32
          %swap3A = arith.constant 0 : i32
          %swap3A_196 = arith.index_cast %swap3A : i32 to index
          %swap3A_197 = arith.index_cast %add3A_193 : i32 to index
          %swap3A_198 = arith.index_cast %mul3A_195 : i32 to index
          %swap3A_199 = tpu.vector_load %arg6[%swap3A_196, %swap3A_197, %swap3A_198] {strides = array<i32>} : memref<3x16x512xf32, #tpu.memory_space<vmem>>, vector<1x1x16xf32>,
          %swap3A_200 = vector.shape_cast %swap3A_199 : vector<1x1x16xf32> to vector<16xf32>
          %swap3A_201 = vector.shape_cast %broadcast_in_dim3A_85 : vector<16xf32> to vector<1x1x16xf32>
          tpu.vector_store %arg6[%swap3A_196, %swap3A_197, %swap3A_198], %swap3A_201 {strides = array<i32>} : memref<3x16x512xf32, #tpu.memory_space<vmem>>, vector<1x1x16xf32>,
          %add3A_202 = arith.constant 0 : i32
          %add3A_203 = arith.addi %add3A_202, %scan3A_191 : i32
          %mul3A_204 = arith.constant 16 : i32
          %mul3A_205 = arith.muli %scan3A_181, %mul3A_204 : i32
          %swap3A_206 = arith.constant 1 : i32
          %swap3A_207 = arith.index_cast %swap3A_206 : i32 to index
          %swap3A_208 = arith.index_cast %add3A_203 : i32 to index
          %swap3A_209 = arith.index_cast %mul3A_205 : i32 to index
          %swap3A_210 = tpu.vector_load %arg6[%swap3A_207, %swap3A_208, %swap3A_209] {strides = array<i32>} : memref<3x16x512xf32, #tpu.memory_space<vmem>>, vector<1x1x16xf32>,
          %swap3A_211 = vector.shape_cast %swap3A_210 : vector<1x1x16xf32> to vector<16xf32>
          %swap3A_212 = vector.shape_cast %broadcast_in_dim3A_85 : vector<16xf32> to vector<1x1x16xf32>
          tpu.vector_store %arg6[%swap3A_207, %swap3A_208, %swap3A_209], %swap3A_212 {strides = array<i32>} : memref<3x16x512xf32, #tpu.memory_space<vmem>>, vector<1x1x16xf32>,
          %add3A_213 = arith.constant 0 : i32
          %add3A_214 = arith.addi %add3A_213, %scan3A_191 : i32
          %mul3A_215 = arith.constant 16 : i32
          %mul3A_216 = arith.muli %scan3A_181, %mul3A_215 : i32
          %swap3A_217 = arith.constant 2 : i32
          %swap3A_218 = arith.index_cast %swap3A_217 : i32 to index
          %swap3A_219 = arith.index_cast %add3A_214 : i32 to index
          %swap3A_220 = arith.index_cast %mul3A_216 : i32 to index
          %swap3A_221 = tpu.vector_load %arg6[%swap3A_218, %swap3A_219, %swap3A_220] {strides = array<i32>} : memref<3x16x512xf32, #tpu.memory_space<vmem>>, vector<1x1x16xf32>,
          %swap3A_222 = vector.shape_cast %swap3A_221 : vector<1x1x16xf32> to vector<16xf32>
          %swap3A_223 = vector.shape_cast %broadcast_in_dim3A_85 : vector<16xf32> to vector<1x1x16xf32>
          tpu.vector_store %arg6[%swap3A_218, %swap3A_219, %swap3A_220], %swap3A_223 {strides = array<i32>} : memref<3x16x512xf32, #tpu.memory_space<vmem>>, vector<1x1x16xf32>,
        }
        %scan3A_190 = arith.constant 8 : i32
      } else {
      }
    }
    %scan3A_104 = arith.constant 32 : i32
    %dma_start3A_105 = arith.constant 0 : i32
    %dma_start3A_106 = arith.constant 0 : i32
    %dma_start3A_107 = arith.constant 0 : i32
    %dma_start3A_108 = tpu.memref_slice %arg6[%dma_start3A_105, %dma_start3A_106, %dma_start3A_107] : memref<3x16x512xf32, #tpu.memory_space<vmem>> -> memref<3x8x512xf32, #tpu.memory_space<vmem>>
    %dma_start3A_109 = arith.constant 0 : i32
    %dma_start3A_110 = arith.constant 0 : i32
    %dma_start3A_111 = tpu.memref_slice %arg4[%dma_start3A_109, %mul3A_2, %dma_start3A_110] : memref<3x512x512xf32, #tpu.memory_space<hbm>> -> memref<3x8x512xf32, #tpu.memory_space<hbm>>
    %dma_start3A_112 = arith.constant 0 : i32
    %dma_start3A_113 = arith.constant 0 : i32
    %dma_start3A_114 = tpu.memref_slice %arg4[%dma_start3A_112, %mul3A_2, %dma_start3A_113] : memref<3x512x512xf32, #tpu.memory_space<hbm>> -> memref<3x8x512xf32, #tpu.memory_space<hbm>>
    %dma_start3A_115 = arith.constant 0 : i32
    %dma_start3A_116 = arith.constant 0 : i32
    %dma_start3A_117 = arith.constant 0 : i32
    %dma_start3A_118 = tpu.memref_slice %arg6[%dma_start3A_115, %dma_start3A_116, %dma_start3A_117] : memref<3x16x512xf32, #tpu.memory_space<vmem>> -> memref<3x8x512xf32, #tpu.memory_space<vmem>>
    tpu.enqueue_dma source(%dma_start3A_118 : memref<3x8x512xf32, #tpu.memory_space<vmem>>) target(%dma_start3A_114 : memref<3x8x512xf32, #tpu.memory_space<hbm>>) target_semaphore(%arg8 : memref<!tpu.dma_semaphore, #tpu.memory_space<semaphore_mem>>)
    %dma_wait3A_119 = arith.constant 0 : i32
    %dma_wait3A_120 = arith.constant 8 : i32
    %dma_wait3A_121 = arith.constant 0 : i32
    %dma_wait3A_122 = tpu.memref_slice %arg6[%dma_wait3A_119, %dma_wait3A_120, %dma_wait3A_121] : memref<3x16x512xf32, #tpu.memory_space<vmem>> -> memref<3x8x512xf32, #tpu.memory_space<vmem>>
    %dma_wait3A_123 = arith.constant 0 : i32
    %dma_wait3A_124 = arith.constant 0 : i32
    %dma_wait3A_125 = tpu.memref_slice %arg2[%dma_wait3A_123, %add3A_6, %dma_wait3A_124] : memref<3x512x512xf32, #tpu.memory_space<hbm>> -> memref<3x8x512xf32, #tpu.memory_space<hbm>>
    %dma_wait3A_126 = arith.constant 0 : i32
    %dma_wait3A_127 = arith.constant 8 : i32
    %dma_wait3A_128 = arith.constant 0 : i32
    %dma_wait3A_129 = tpu.memref_slice %arg6[%dma_wait3A_126, %dma_wait3A_127, %dma_wait3A_128] : memref<3x16x512xf32, #tpu.memory_space<vmem>> -> memref<3x8x512xf32, #tpu.memory_space<vmem>>
    %dma_wait3A_130 = arith.constant 0 : i32
    %dma_wait3A_131 = arith.constant 0 : i32
    %dma_wait3A_132 = tpu.memref_slice %arg2[%dma_wait3A_130, %add3A_6, %dma_wait3A_131] : memref<3x512x512xf32, #tpu.memory_space<hbm>> -> memref<3x8x512xf32, #tpu.memory_space<hbm>>
    tpu.wait_dma2 semaphore(%arg9 : memref<!tpu.dma_semaphore, #tpu.memory_space<semaphore_mem>>) src(%dma_wait3A_132 : memref<3x8x512xf32, #tpu.memory_space<hbm>>) dst(%dma_wait3A_129 : memref<3x8x512xf32, #tpu.memory_space<vmem>>)
    %scan3A_133 = arith.constant 0 : i32
    %scan3A_134 = arith.constant 0 : i32
    %scan3A_135 = arith.constant 32 : i32
    %scan3A_136 = arith.addi %scan3A_134, %scan3A_135 : i32
    %scan3A_137 = arith.constant 1 : i32
    scf.for %scan3A_181 = %scan3A_134 to %scan3A_136 step %scan3A_137  : i32 {
      %shift_right_arithmetic3A = arith.shrsi %or3A_83, %scan3A_181 : i32
      %and3A = arith.constant 1 : i32
      %and3A_182 = arith.andi %shift_right_arithmetic3A, %and3A : i32
      %ne3A = arith.constant 0 : i32
      %ne3A_183 = arith.cmpi ne, %and3A_182, %ne3A : i32
      %convert_element_type3A = arith.extui %ne3A_183 : i1 to i32
      %cond3A = arith.constant 0 : i32
      %cond3A_184 = arith.cmpi ne, %convert_element_type3A, %cond3A : i32
      scf.if %cond3A_184 {
        %scan3A_185 = arith.constant 0 : i32
        %scan3A_186 = arith.constant 0 : i32
        %scan3A_187 = arith.constant 8 : i32
        %scan3A_188 = arith.addi %scan3A_186, %scan3A_187 : i32
        %scan3A_189 = arith.constant 1 : i32
        scf.for %scan3A_191 = %scan3A_186 to %scan3A_188 step %scan3A_189  : i32 {
          %add3A_192 = arith.constant 8 : i32
          %add3A_193 = arith.addi %add3A_192, %scan3A_191 : i32
          %mul3A_194 = arith.constant 16 : i32
          %mul3A_195 = arith.muli %scan3A_181, %mul3A_194 : i32
          %swap3A = arith.constant 0 : i32
          %swap3A_196 = arith.index_cast %swap3A : i32 to index
          %swap3A_197 = arith.index_cast %add3A_193 : i32 to index
          %swap3A_198 = arith.index_cast %mul3A_195 : i32 to index
          %swap3A_199 = tpu.vector_load %arg6[%swap3A_196, %swap3A_197, %swap3A_198] {strides = array<i32>} : memref<3x16x512xf32, #tpu.memory_space<vmem>>, vector<1x1x16xf32>,
          %swap3A_200 = vector.shape_cast %swap3A_199 : vector<1x1x16xf32> to vector<16xf32>
          %swap3A_201 = vector.shape_cast %broadcast_in_dim3A_85 : vector<16xf32> to vector<1x1x16xf32>
          tpu.vector_store %arg6[%swap3A_196, %swap3A_197, %swap3A_198], %swap3A_201 {strides = array<i32>} : memref<3x16x512xf32, #tpu.memory_space<vmem>>, vector<1x1x16xf32>,
          %add3A_202 = arith.constant 8 : i32
          %add3A_203 = arith.addi %add3A_202, %scan3A_191 : i32
          %mul3A_204 = arith.constant 16 : i32
          %mul3A_205 = arith.muli %scan3A_181, %mul3A_204 : i32
          %swap3A_206 = arith.constant 1 : i32
          %swap3A_207 = arith.index_cast %swap3A_206 : i32 to index
          %swap3A_208 = arith.index_cast %add3A_203 : i32 to index
          %swap3A_209 = arith.index_cast %mul3A_205 : i32 to index
          %swap3A_210 = tpu.vector_load %arg6[%swap3A_207, %swap3A_208, %swap3A_209] {strides = array<i32>} : memref<3x16x512xf32, #tpu.memory_space<vmem>>, vector<1x1x16xf32>,
          %swap3A_211 = vector.shape_cast %swap3A_210 : vector<1x1x16xf32> to vector<16xf32>
          %swap3A_212 = vector.shape_cast %broadcast_in_dim3A_85 : vector<16xf32> to vector<1x1x16xf32>
          tpu.vector_store %arg6[%swap3A_207, %swap3A_208, %swap3A_209], %swap3A_212 {strides = array<i32>} : memref<3x16x512xf32, #tpu.memory_space<vmem>>, vector<1x1x16xf32>,
          %add3A_213 = arith.constant 8 : i32
          %add3A_214 = arith.addi %add3A_213, %scan3A_191 : i32
          %mul3A_215 = arith.constant 16 : i32
          %mul3A_216 = arith.muli %scan3A_181, %mul3A_215 : i32
          %swap3A_217 = arith.constant 2 : i32
          %swap3A_218 = arith.index_cast %swap3A_217 : i32 to index
          %swap3A_219 = arith.index_cast %add3A_214 : i32 to index
          %swap3A_220 = arith.index_cast %mul3A_216 : i32 to index
          %swap3A_221 = tpu.vector_load %arg6[%swap3A_218, %swap3A_219, %swap3A_220] {strides = array<i32>} : memref<3x16x512xf32, #tpu.memory_space<vmem>>, vector<1x1x16xf32>,
          %swap3A_222 = vector.shape_cast %swap3A_221 : vector<1x1x16xf32> to vector<16xf32>
          %swap3A_223 = vector.shape_cast %broadcast_in_dim3A_85 : vector<16xf32> to vector<1x1x16xf32>
          tpu.vector_store %arg6[%swap3A_218, %swap3A_219, %swap3A_220], %swap3A_223 {strides = array<i32>} : memref<3x16x512xf32, #tpu.memory_space<vmem>>, vector<1x1x16xf32>,
        }
        %scan3A_190 = arith.constant 8 : i32
      } else {
      }
    }
    %scan3A_138 = arith.constant 32 : i32
    %dma_start3A_139 = arith.constant 0 : i32
    %dma_start3A_140 = arith.constant 8 : i32
    %dma_start3A_141 = arith.constant 0 : i32
    %dma_start3A_142 = tpu.memref_slice %arg6[%dma_start3A_139, %dma_start3A_140, %dma_start3A_141] : memref<3x16x512xf32, #tpu.memory_space<vmem>> -> memref<3x8x512xf32, #tpu.memory_space<vmem>>
    %dma_start3A_143 = arith.constant 0 : i32
    %dma_start3A_144 = arith.constant 0 : i32
    %dma_start3A_145 = tpu.memref_slice %arg4[%dma_start3A_143, %add3A_6, %dma_start3A_144] : memref<3x512x512xf32, #tpu.memory_space<hbm>> -> memref<3x8x512xf32, #tpu.memory_space<hbm>>
    %dma_start3A_146 = arith.constant 0 : i32
    %dma_start3A_147 = arith.constant 0 : i32
    %dma_start3A_148 = tpu.memref_slice %arg4[%dma_start3A_146, %add3A_6, %dma_start3A_147] : memref<3x512x512xf32, #tpu.memory_space<hbm>> -> memref<3x8x512xf32, #tpu.memory_space<hbm>>
    %dma_start3A_149 = arith.constant 0 : i32
    %dma_start3A_150 = arith.constant 8 : i32
    %dma_start3A_151 = arith.constant 0 : i32
    %dma_start3A_152 = tpu.memref_slice %arg6[%dma_start3A_149, %dma_start3A_150, %dma_start3A_151] : memref<3x16x512xf32, #tpu.memory_space<vmem>> -> memref<3x8x512xf32, #tpu.memory_space<vmem>>
    tpu.enqueue_dma source(%dma_start3A_152 : memref<3x8x512xf32, #tpu.memory_space<vmem>>) target(%dma_start3A_148 : memref<3x8x512xf32, #tpu.memory_space<hbm>>) target_semaphore(%arg10 : memref<!tpu.dma_semaphore, #tpu.memory_space<semaphore_mem>>)
    %dma_wait3A_153 = arith.constant 0 : i32
    %dma_wait3A_154 = arith.constant 0 : i32
    %dma_wait3A_155 = arith.constant 0 : i32
    %dma_wait3A_156 = tpu.memref_slice %arg6[%dma_wait3A_153, %dma_wait3A_154, %dma_wait3A_155] : memref<3x16x512xf32, #tpu.memory_space<vmem>> -> memref<3x8x512xf32, #tpu.memory_space<vmem>>
    %dma_wait3A_157 = arith.constant 0 : i32
    %dma_wait3A_158 = arith.constant 0 : i32
    %dma_wait3A_159 = tpu.memref_slice %arg4[%dma_wait3A_157, %mul3A_2, %dma_wait3A_158] : memref<3x512x512xf32, #tpu.memory_space<hbm>> -> memref<3x8x512xf32, #tpu.memory_space<hbm>>
    %dma_wait3A_160 = arith.constant 0 : i32
    %dma_wait3A_161 = arith.constant 0 : i32
    %dma_wait3A_162 = tpu.memref_slice %arg4[%dma_wait3A_160, %mul3A_2, %dma_wait3A_161] : memref<3x512x512xf32, #tpu.memory_space<hbm>> -> memref<3x8x512xf32, #tpu.memory_space<hbm>>
    %dma_wait3A_163 = arith.constant 0 : i32
    %dma_wait3A_164 = arith.constant 0 : i32
    %dma_wait3A_165 = arith.constant 0 : i32
    %dma_wait3A_166 = tpu.memref_slice %arg6[%dma_wait3A_163, %dma_wait3A_164, %dma_wait3A_165] : memref<3x16x512xf32, #tpu.memory_space<vmem>> -> memref<3x8x512xf32, #tpu.memory_space<vmem>>
    tpu.wait_dma2 semaphore(%arg8 : memref<!tpu.dma_semaphore, #tpu.memory_space<semaphore_mem>>) src(%dma_wait3A_166 : memref<3x8x512xf32, #tpu.memory_space<vmem>>) dst(%dma_wait3A_162 : memref<3x8x512xf32, #tpu.memory_space<hbm>>)
    %dma_wait3A_167 = arith.constant 0 : i32
    %dma_wait3A_168 = arith.constant 8 : i32
    %dma_wait3A_169 = arith.constant 0 : i32
    %dma_wait3A_170 = tpu.memref_slice %arg6[%dma_wait3A_167, %dma_wait3A_168, %dma_wait3A_169] : memref<3x16x512xf32, #tpu.memory_space<vmem>> -> memref<3x8x512xf32, #tpu.memory_space<vmem>>
    %dma_wait3A_171 = arith.constant 0 : i32
    %dma_wait3A_172 = arith.constant 0 : i32
    %dma_wait3A_173 = tpu.memref_slice %arg4[%dma_wait3A_171, %add3A_6, %dma_wait3A_172] : memref<3x512x512xf32, #tpu.memory_space<hbm>> -> memref<3x8x512xf32, #tpu.memory_space<hbm>>
    %dma_wait3A_174 = arith.constant 0 : i32
    %dma_wait3A_175 = arith.constant 0 : i32
    %dma_wait3A_176 = tpu.memref_slice %arg4[%dma_wait3A_174, %add3A_6, %dma_wait3A_175] : memref<3x512x512xf32, #tpu.memory_space<hbm>> -> memref<3x8x512xf32, #tpu.memory_space<hbm>>
    %dma_wait3A_177 = arith.constant 0 : i32
    %dma_wait3A_178 = arith.constant 8 : i32
    %dma_wait3A_179 = arith.constant 0 : i32
    %dma_wait3A_180 = tpu.memref_slice %arg6[%dma_wait3A_177, %dma_wait3A_178, %dma_wait3A_179] : memref<3x16x512xf32, #tpu.memory_space<vmem>> -> memref<3x8x512xf32, #tpu.memory_space<vmem>>
    tpu.wait_dma2 semaphore(%arg10 : memref<!tpu.dma_semaphore, #tpu.memory_space<semaphore_mem>>) src(%dma_wait3A_180 : memref<3x8x512xf32, #tpu.memory_space<vmem>>) dst(%dma_wait3A_176 : memref<3x8x512xf32, #tpu.memory_space<hbm>>)
    return
  }
}

</mosaic_0001>

<sc_bundles>
// kernel: kernel.3.cloned.1.call-start
scs
__scs_entry_jumppad:
0x0: {  	(pc) =	sbr.rel $0x88, $3  }
0x1: {  	(tag) =	ssettag $0x0;
	lr =	simm.s32 $0x1  }
0x2: {  	[smem:$0x3F9F] =	sst lr;
	_ =	strace $0xD0000000  }
0x3: {  	_ = 	snop  }
0x4: {  	_ = 	snop  }
0x5: {  	_ = 	snop  }
0x6: {  	_ = 	snop  }
0x7: {  	_ = 	snop  }
__scs_overlays_trampoline_lowered:
0x8: {  	[smem:$0x3FAE] =	sst s0  }
0x9: {  	[smem:$0x3FAF] =	sst s1  }
0xa: {  	[smem:$0x3FB0] =	sst s2  }
0xb: {  	[smem:$0x3FB1] =	sst s3  }
0xc: {  	[smem:$0x3FB2] =	sst s4  }
0xd: {  	[smem:$0x3FB3] =	sst s5  }
0xe: {  	[smem:$0x3FB4] =	sst s6  }
0xf: {  	[smem:$0x3FB5] =	sst s7  }
0x10: {  	[smem:$0x3FB6] =	sst s8  }
0x11: {  	[smem:$0x3FB7] =	sst s9;
	s0 =	simm.s32 @!p0 $0x0  }
0x12: {  	s1 =	sld [smem:$0x3F9D];
	s0 =	simm.s32 @p0 $0x1  }
0x13: {  	[smem:$0x3FB8] =	sst s0;
	s0 =	simm.s32 @!p1 $0x0  }
0x14: {  	s2 =	sld [smem:$0x3F9C];
	s0 =	simm.s32 @p1 $0x1  }
0x15: {  	[smem:$0x3FB9] =	sst s0;
	s0 =	simm.s32 @!p2 $0x0  }
0x16: {  	s3 =	sld [smem:$0x3FDB];
	s0 =	simm.s32 @p2 $0x1  }
0x17: {  	s4 =	simm.s32 $0x1BF5;
	[smem:$0x3FBB] =	sst s0  }
0x18: {  	s0 =	sld [smem:$0x3F9E];
	_ =	swait.ge [sflag:s4], $0x0  }
0x19: {  	s7 =	sld [smem:$0x3F9F]  }
0x1a: {  	s8 =	sadd.s32 $0xFFFFE003, lr  }
0x1b: {  	s9 =	sadd.s32 $0xFFFFFEF7, lr;
	s5 =	simm.s32 $0xFFFFFFFF;
	p2 =	slt.u32 s8, $0xFFFFF086  }
0x1c: {  	p1 =	slt.u32 s9, $0xF7A;
	s5 =	simm.s32 @!p2 $0x0  }
0x1d: {  	s5 =	simm.s32 @p1 $0x1;
	p0 =	seq.s32 s7, s2  }
0x1e: {  	s7 =	smul.u32 @!p0 $0xF7A, s2;
	p2 =	seq.s32 @!p0 s5, $0x0  }
0x1f: {  	s9 =	smul.u32 $0xF7A, s1;
	s8 =	simm.s32 @!p0 $0x1BF5;
	p2 =	por !p2, p0  }
0x20: {  	[sflag:s8] =	ssyncset.s32 @!p0 $0xFFFFF086;
	s6 =	sadd.s32 @!p0 s3, s7;
	s7 =	simm.s32 @!p0 $0x108  }
0x21: {  	s3 =	sadd.s32 s3, s9;
	s6 =	sadd.s32 @!p0 $0x88, s6;
	s7 =	simm.s32 @p2 $0x1082  }
0x22: {  	[simem:s7], [sflag:s8] =	dma.local @!p0 [hbm:s6], $0xF7A  }
0x23: {  	s9 =	sor.u32 $0xD0000000, s2;
	s6 =	simm.s32 $0x108;
	_ =	swait.ge @!p0 [sflag:s8], $0x0  }
0x24: {  	s3 =	sadd.s32 $0x88, s3;
	s6 =	simm.s32 @!p1 $0x1082;
	[sflag:s4] =	ssyncset.s32 $0xFFFFF086  }
0x25: {  	[simem:s6], [sflag:s4] =	dma.local [hbm:s3], $0xF7A  }
0x26: {  	[smem:$0x3F9F] =	sst s1;
	(tag) =	ssettag s2;
	_ =	strace s9  }
0x27: {  	s1 =	sld [smem:$0x3FAF]  }
0x28: {  	s2 =	sld [smem:$0x3FB0]  }
0x29: {  	s4 =	sld [smem:$0x3FB2]  }
0x2a: {  	p0 =	seq.s32 s5, $0x0;
	s5 =	sld [smem:$0x3FB3]  }
0x2b: {  	s6 =	sld [smem:$0x3FB4]  }
0x2c: {  	s7 =	sld [smem:$0x3FB5]  }
0x2d: {  	s3 =	simm.s32 $0x108;
	s8 =	sld [smem:$0x3FB6]  }
0x2e: {  	s3 =	simm.s32 @!p0 $0x1082;
	s9 =	sld [smem:$0x3FB7]  }
0x2f: {  	lr =	sadd.s32 s0, s3;
	s0 =	sld [smem:$0x3FAE]  }
0x30: {  	s3 =	sld [smem:$0x3FB1]  }
0x31: {  	[smem:$0x3FBA] =	sst s10  }
0x32: {  	s10 =	sld [smem:$0x3FB8];
	_ =	sdelay $0x3  }
0x33: {  	p0 =	seq.s32 s10, $0x1;
	s10 =	sld [smem:$0x3FBA];
	_ =	sdelay $0x3  }
0x34: {  	[smem:$0x3FBA] =	sst s10  }
0x35: {  	s10 =	sld [smem:$0x3FB9];
	_ =	sdelay $0x3  }
0x36: {  	p1 =	seq.s32 s10, $0x1;
	s10 =	sld [smem:$0x3FBA];
	_ =	sdelay $0x3  }
0x37: {  	[smem:$0x3FBA] =	sst s10  }
0x38: {  	s10 =	sld [smem:$0x3FBB]  }
0x39: {  	_ = 	snop;
	(pc) =	sbr.ind lr, $3  }
0x3a: {  	_ = 	snop  }
0x3b: {  	_ = 	snop  }
0x3c: {  	p2 =	seq.s32 s10, $0x1;
	s10 =	sld [smem:$0x3FBA]  }
0x3d: {  	_ =	shalt  }
0x3e: {  	_ =	shalt  }
0x3f: {  	_ =	shalt  }
0x40: {  	_ =	shalt  }
0x41: {  	_ =	shalt  }
0x42: {  	_ =	shalt  }
0x43: {  	_ =	shalt  }
0x44: {  	_ =	shalt  }
0x45: {  	_ =	shalt  }
0x46: {  	_ =	shalt  }
0x47: {  	_ =	shalt  }
0x48: {  	_ =	shalt  }
0x49: {  	_ =	shalt  }
0x4a: {  	_ =	shalt  }
0x4b: {  	_ =	shalt  }
0x4c: {  	_ =	shalt  }
0x4d: {  	_ =	shalt  }
0x4e: {  	_ =	shalt  }
0x4f: {  	_ =	shalt  }
0x50: {  	_ =	shalt  }
0x51: {  	_ =	shalt  }
0x52: {  	_ =	shalt  }
0x53: {  	_ =	shalt  }
0x54: {  	_ =	shalt  }
0x55: {  	_ =	shalt  }
0x56: {  	_ =	shalt  }
0x57: {  	_ =	shalt  }
0x58: {  	_ =	shalt  }
0x59: {  	_ =	shalt  }
0x5a: {  	_ =	shalt  }
0x5b: {  	_ =	shalt  }
0x5c: {  	_ =	shalt  }
0x5d: {  	_ =	shalt  }
0x5e: {  	_ =	shalt  }
0x5f: {  	_ =	shalt  }
0x60: {  	_ =	shalt  }
0x61: {  	_ =	shalt  }
0x62: {  	_ =	shalt  }
0x63: {  	_ =	shalt  }
0x64: {  	_ =	shalt  }
0x65: {  	_ =	shalt  }
0x66: {  	_ =	shalt  }
0x67: {  	_ =	shalt  }
0x68: {  	_ =	shalt  }
0x69: {  	_ =	shalt  }
0x6a: {  	_ =	shalt  }
0x6b: {  	_ =	shalt  }
0x6c: {  	_ =	shalt  }
0x6d: {  	_ =	shalt  }
0x6e: {  	_ =	shalt  }
0x6f: {  	_ =	shalt  }
0x70: {  	_ =	shalt  }
0x71: {  	_ =	shalt  }
0x72: {  	_ =	shalt  }
0x73: {  	_ =	shalt  }
0x74: {  	_ =	shalt  }
0x75: {  	_ =	shalt  }
0x76: {  	_ =	shalt  }
0x77: {  	_ =	shalt  }
0x78: {  	_ =	shalt  }
0x79: {  	_ =	shalt  }
0x7a: {  	_ =	shalt  }
0x7b: {  	_ =	shalt  }
0x7c: {  	_ =	shalt  }
0x7d: {  	_ =	shalt  }
0x7e: {  	_ =	shalt  }
0x7f: {  	_ =	shalt  }
0x80: {  	_ =	shalt  }
0x81: {  	_ =	shalt  }
0x82: {  	_ =	shalt  }
0x83: {  	_ =	shalt  }
0x84: {  	_ =	shalt  }
0x85: {  	_ =	shalt  }
0x86: {  	_ =	shalt  }
0x87: {  	_ =	shalt  }
.Lfunc_end0:
.L_simem_size_0:
called_computation_lowered:
.L_overlay_start_0:
0x88: {  	s2 =	sld [smem:$0x3FD9]  }
0x89: {  	s3 =	sld [smem:$0x3FFE];
	_ =	sdelay $0x1  }
0x8a: {  	s1 =	srdreg.scid  }
0x8b: {  	s0 =	sand.u32 $0x1, s1  }
0x8c: {  	s18 =	sshll.u32 s0, $0xA;
	s2 =	sadd.s32 s3, s2  }
0x8d: {  	s2 =	sadd.s32 s2, s18  }
0x8e: {  	[smem:$0x3FC6] =	sst s2  }
0x8f: {  	_ = 	snop  }
0x90: {  	s2 =	sld [smem:$0x3FC9]  }
0x91: {  	s19 =	sld [smem:$0x3FC8]  }
0x92: {  	s4 =	sld [smem:$0x3FD0];
	(tm) =	ssettm $0x1  }
0x93: {  	s5 =	sld [smem:$0x3FFB];
	_ =	sdelay $0x3  }
0x94: {  	_ =	strace s5  }
0x95: {  	s5 =	sld [smem:$0x3FFC];
	_ =	sdelay $0x3  }
0x96: {  	_ =	strace s5  }
0x97: {  	s5 =	sld [smem:$0x3FFD];
	_ =	sdelay $0x3  }
0x98: {  	_ =	strace s5  }
0x99: {  	_ =	strace $0x8FFFFFFF  }
0x9a: {  	s20 =	sld [smem:$0x3FDB];
	_ =	sdelay $0x1  }
0x9b: {  	s6 =	simm.s32 $_scs_section_size  }
0x9c: {  	s7 =	simm.s32 $_size__tile_overlayer_lowered;
	s8 =	simm.s32 $_tile_overlayer_lowered  }
0x9d: {  	s23 =	simm.s32 $0x1BFF;
	s22 =	sshll.u32 s8, $0x1;
	s5 =	sadd.s32 s6, s20  }
0x9e: {  	s9 =	simm.s32 $0x0;
	s21 =	sshll.u32 s7, $0x1;
	s7 =	sadd.s32 s22, s5  }
0x9f: {  	[timem:s9], [sflag:s23] =	dma.local [hbm:s7], s21  }
0xa0: {  	_ =	swait.ge [sflag:s23], s21  }
0xa1: {  	s6 =	ssub.s32 $0x0, s21;
	[sflag:s23] =	ssyncset.done $0x0  }
0xa2: {  	[sflag:s23] =	ssyncadd.s32 s6;
	_ =	sdelay $0x1  }
0xa3: {  	s24 =	simm.s32 $0x1B8B  }
0xa4: {  	_ =	swait.ge [sflag:s24], $0x1  }
0xa5: {  	[sflag:s24] =	ssyncset.done $0x0  }
0xa6: {  	s25 =	simm.s32 $0x1B8E;
	[sflag:s24] =	ssyncadd.s32 $0xFFFFFFFF  }
0xa7: {  	s26 =	simm.s32 $execute0_lowered;
	[smem:$0x3FD2] =	sst s25  }
0xa8: {  	s6 =	sshll.u32 s26, $0x1;
	_ =	strace $0x80000046;
	[dreg:$0x1] =	wrdreg $0xFFFFFFFF  }
0xa9: {  	s28 =	simm.s32 $_size_execute0_lowered;
	s5 =	sadd.s32 s5, s6;
	[dreg:$0x0] =	wrdreg $0x0  }
0xaa: {  	s6 =	sshll.u32 s28, $0x1;
	[dreg:$0x2] =	wrdreg s5  }
0xab: {  	[dreg:$0x3] =	wrdreg s6  }
0xac: {  	[dreg:$0x4] =	wrdreg $0xC0  }
0xad: {  	_ =	task [dreg:s9], $0x5FFFF  }
0xae: {  	[dreg:$0x1] =	wrdreg $0xFFFFFFFF  }
0xaf: {  	[dreg:$0x0] =	wrdreg $0x60  }
0xb0: {  	[dreg:$0x2] =	wrdreg s2  }
0xb1: {  	[dreg:$0x3] =	wrdreg s19  }
0xb2: {  	[dreg:$0x4] =	wrdreg s4  }
0xb3: {  	[dreg:$0x5] =	wrdreg $0x9  }
0xb4: {  	_ =	task.clear_ibuf [dreg:s9], $0x6FFFF;
	_ =	strace $0x90000046  }
0xb5: {  	s29 =	simm.s32 $0x9;
	_ =	strace $0x80000048  }
0xb6: {  	_ =	swait.ge [sflag:s29], $0x1  }
0xb7: {  	[sflag:s29] =	ssyncadd.s32 $0xFFFFFFFF  }
0xb8: {  	_ =	strace $0x90000048  }
0xb9: {  	_ =	sfence  }
0xba: {  	s30 =	sld [smem:$0x0];
	_ =	sdelay $0x2  }
0xbb: {  	s31 =	sshll.u32 s1, $0xD;
	s1 =	sshrl.u32 s1, $0x2  }
0xbc: {  	s3 =	sand.u32 $0x4000, s31;
	s1 =	sadd.s32 s1, s30  }
0xbd: {  	s0 =	sor.u32 s3, s0;
	s1 =	sshll.u32 s1, $0x11  }
0xbe: {  	s0 =	sor.u32 s1, s0  }
0xbf: {  	s0 =	sadd.s32 $0x8F2B, s0  }
0xc0: {  	[sflag:s0] =	ssyncadd.remote.s32 $0x1  }
0xc1: {  	_ =	sfence.sel $0xFFFF  }
0xc2: {  	[dreg:$0x0] =	wrdreg $0xFFFFFFFF;
	(pc) =	sbr.abs _section_cstart, $3  }
0xc3: {  	[dreg:$0x1] =	wrdreg $0xFFFFFFFF  }
0xc4: {  	_ =	task.clear_ibuf [dreg:s9], $0x2FFFF;
	_ =	strace $0x9FFFFFFF  }
0xc5: {  	(tm) =	ssettm $0x7FFFFFFF  }
tec
execute0_lowered:
.L_overlay_start_1:
0x0: {  	(tag) =	ssettag $0x1  }
0x1: {  	s5 =	rddreg [dreg:$0x0]  }
0x2: {  	s2 =	rddreg [dreg:$0x1]  }
0x3: {  	s7 =	rddreg [dreg:$0x2];
	s3 =	srdreg.scid  }
0x4: {  	s1 =	stileid.u32;
	s13 =	simm.s32 $0x180;
	s14 =	simm.s32 $0x2180  }
0x5: {  	s15 =	simm.s32 $0x4180;
	s16 =	simm.s32 $0x1180;
	s17 =	simm.s32 $0x3180  }
0x6: {  	s18 =	simm.s32 $0x5180;
	s19 =	simm.s32 $0x5;
	s20 =	simm.s32 $0x1  }
0x7: {  	s21 =	simm.s32 $0x3;
	s23 =	simm.s32 $0x4;
	s24 =	simm.s32 $0x0  }
0x8: {  	s4 =	sand.u32 $0x1, s3;
	s6 =	sshll.u32 s1, $0x1;
	s3 =	simm.s32 $0x0  }
0x9: {  	s8 =	ssub.s32 $0x2, s4;
	s22 =	sor.u32 s4, s6;
	[smem:$0x7FF] =	sst s3  }
0xa: {  	v0 =	vlaneseq.u32;
	s31 =	sshrl.u32 s8, $0x1;
	s6 =	sshll.u32 s22, $0xA;
	_ =	strace $0x80000047  }
0xb: {  	v1 =	vmul.u32 $0xFFFFFFFF, v0;
	v0 =	vmov s22;
	s22 =	simm.s32 $0x2;
	s8 =	ssub.s32 s8, s31;
	s9 =	sor.u32 $0x200, s6  }
0xc: {  	s4 =	sadd.s32 s5, s6;
	s6 =	sadd.s32 s7, s6;
	s5 =	sadd.s32 s5, s9  }
0xd: {  	s7 =	sadd.s32 s7, s9;
	s8 =	smax.u32 s8, $0x1;
	s9 =	sadd.s32 $0x8000, s4  }
0xe: {  	v2 =	vimm.s32 $0x1;
	v1 =	vadd.s32 $0x133, v1;
	s10 =	sadd.s32 $0x10000, s4;
	s11 =	sadd.s32 $0x8000, s5;
	s12 =	sadd.s32 $0x10000, s5  }
.LBB2_1:
0xf: {  	[tilespmem:s13], [sflag:$0x1] =	stream.linear.gather [hbm4b:s4+s3], $0x1000, $0x38;
	[tilespmem:$0x6180] =	vst v63  }
0x10: {  	_ = 	snop  }
0x11: {  	[tilespmem:s14], [sflag:$0x1] =	stream.linear.gather [hbm4b:s9+s3], $0x1000, $0x38;
	[tilespmem:$0x6180] =	vst v63  }
0x12: {  	_ = 	snop  }
0x13: {  	[tilespmem:s15], [sflag:$0x1] =	stream.linear.gather [hbm4b:s10+s3], $0x1000, $0x38;
	[tilespmem:$0x6180] =	vst v63  }
0x14: {  	_ = 	snop  }
0x15: {  	[tilespmem:s16], [sflag:$0x3] =	stream.linear.gather [hbm4b:s5+s3], $0x1000, $0x38;
	[tilespmem:$0x6180] =	vst v63  }
0x16: {  	_ = 	snop  }
0x17: {  	[tilespmem:s17], [sflag:$0x3] =	stream.linear.gather [hbm4b:s11+s3], $0x1000, $0x38;
	[tilespmem:$0x6180] =	vst v63  }
0x18: {  	_ = 	snop  }
0x19: {  	[tilespmem:s18], [sflag:$0x3] =	stream.linear.gather [hbm4b:s12+s3], $0x1000, $0x38;
	[tilespmem:$0x6180] =	vst v63  }
0x1a: {  	_ = 	snop  }
0x1b: {  	[tilespmem:s3], [sflag:$0x5] =	stream.linear.gather [hbm4b:s2+s3], $0x133, $0x38;
	[tilespmem:$0x6180] =	vst v63  }
0x1c: {  	_ =	swait.ge [sflag:s19], $0x133  }
0x1d: {  	[sflag:s19] =	ssyncset.done $0x0  }
0x1e: {  	[sflag:s19] =	ssyncadd.s32 $0xFFFFFECD  }
0x1f: {  	v4 =	vld [tilespmem:s3+$0x0];
	_ =	sdelay $0x4  }
0x20: {  	v3 =	vimm.s32 $0x0;
	s25 =	simm.s32 $0x10;
	v5 =	vmov s3;
	s26 =	simm.s32 $0x10;
	v6 =	vshra.s32 v4, $0x5  }
.LBB2_2:
0x21: {  	p0 =	sne.s32 s25, $0x130;
	vm0 =	vlt.u32 v5, v1;
	vm1 =	veq.s32 v6, v0;
	v5 =	vand.u32 $0x1F, v4;
	v4 =	vld [tilespmem:s26+$0x0];
	s28 =	smov.u32 s25;
	s25 =	sadd.s32 $0x10, s25  }
.Ltmp0:
0x22: {  	vm0 =	vmand vm0, vm1;
	v5 =	vshll.u32 v2, v5;
	(pc) =	sbr.rel @p0 .LBB2_2-.Ltmp0, $3  }
0x23: {  	v5 =	vnsel vm0, $0x0, v5  }
0x24: {  	v3 =	vor.u32 v3, v5;
	_ =	sdelay $0x1  }
0x25: {  	s26 =	sadd.s32 $0x10, s26;
	v5 =	vmov s28;
	v6 =	vshra.s32 v4, $0x5  }
0x26: {  	vm0 =	vlt.u32 v5, v1;
	vm1 =	veq.s32 v6, v0;
	v4 =	vand.u32 $0x1F, v4  }
0x27: {  	vm0 =	vmand vm0, vm1;
	v4 =	vshll.u32 v2, v4  }
0x28: {  	v4 =	vnsel vm0, $0x0, v4  }
0x29: {  	v3 =	vor.u32 v3, v4  }
0x2a: {  	(v2sf) =	vpush v3, $0x0  }
0x2b: {  	(v2sf) =	vpush v3, $0x1  }
0x2c: {  	(v2sf) =	vpush v3, $0x2  }
0x2d: {  	(v2sf) =	vpush v3, $0x3  }
0x2e: {  	(v2sf) =	vpush v3, $0x4  }
0x2f: {  	(v2sf) =	vpush v3, $0x5  }
0x30: {  	(v2sf) =	vpush v3, $0x6  }
0x31: {  	(v2sf) =	vpush v3, $0x7  }
0x32: {  	(v2sf) =	vpush v3, $0x8  }
0x33: {  	(v2sf) =	vpush v3, $0x9  }
0x34: {  	(v2sf) =	vpush v3, $0xA  }
0x35: {  	(v2sf) =	vpush v3, $0xB  }
0x36: {  	(v2sf) =	vpush v3, $0xC  }
0x37: {  	(v2sf) =	vpush v3, $0xD  }
0x38: {  	(v2sf) =	vpush v3, $0xE  }
0x39: {  	s25 =	spop (v2sf);
	(v2sf) =	vpush v3, $0xF  }
0x3a: {  	s26 =	spop (v2sf)  }
0x3b: {  	s28 =	spop (v2sf)  }
0x3c: {  	s25 =	sor.u32 s26, s25;
	s29 =	spop (v2sf)  }
0x3d: {  	s0 =	spop (v2sf);
	s25 =	sor.u32 s29, s25  }
0x3e: {  	s29 =	spop (v2sf);
	s25 =	sor.u32 s28, s25  }
0x3f: {  	s28 =	spop (v2sf);
	s25 =	sor.u32 s29, s25  }
0x40: {  	s29 =	spop (v2sf);
	s25 =	sor.u32 s0, s25  }
0x41: {  	s31 =	spop (v2sf);
	s25 =	sor.u32 s29, s25  }
0x42: {  	s29 =	spop (v2sf);
	s25 =	sor.u32 s28, s25  }
0x43: {  	s28 =	spop (v2sf);
	s25 =	sor.u32 s29, s25  }
0x44: {  	s29 =	spop (v2sf);
	s25 =	sor.u32 s31, s25  }
0x45: {  	s0 =	spop (v2sf);
	s25 =	sor.u32 s29, s25  }
0x46: {  	s29 =	spop (v2sf);
	s25 =	sor.u32 s28, s25  }
0x47: {  	s28 =	spop (v2sf);
	s25 =	sor.u32 s29, s25  }
0x48: {  	s29 =	spop (v2sf);
	s25 =	sor.u32 s0, s25  }
0x49: {  	s25 =	sor.u32 s29, s25  }
0x4a: {  	s25 =	sor.u32 s28, s25  }
0x4b: {  	s31 =	sshrl.u32 s25, $0x0  }
0x4c: {  	s28 =	sand.u32 $0x1, s31  }
0x4d: {  	s26 =	simm.s32 $0x0;
	_ =	swait.ge [sflag:s20], $0x3000;
	p0 =	seq.s32 s28, $0x0  }
0x4e: {  	[sflag:s20] =	ssyncset.done $0x0;
	s28 =	sand.u32 @!p0 $0x70, s26;
	s29 =	sand.u32 @!p0 $0xC00, s26  }
0x4f: {  	[sflag:s20] =	ssyncadd.s32 $0xFFFFD000;
	v3 =	vimm.f32 @!p0 $6.999999880e-01;
	s28 =	sor.u32 @!p0 s28, s29;
	p0 =	por p0, p0  }
0x50: {  	[tilespmem:s28+$0x4500] =	vst @!p0 v3  }
0x51: {  	[tilespmem:s28+$0x180] =	vst @!p0 v3  }
0x52: {  	[tilespmem:s28+$0x2180] =	vst @!p0 v3  }
0x53: {  	[tilespmem:s28+$0x4180] =	vst @!p0 v3  }
0x54: {  	[tilespmem:s28+$0x200] =	vst @!p0 v3  }
0x55: {  	[tilespmem:s28+$0x2200] =	vst @!p0 v3  }
0x56: {  	[tilespmem:s28+$0x4200] =	vst @!p0 v3  }
0x57: {  	[tilespmem:s28+$0x280] =	vst @!p0 v3  }
0x58: {  	[tilespmem:s28+$0x2280] =	vst @!p0 v3  }
0x59: {  	[tilespmem:s28+$0x4280] =	vst @!p0 v3  }
0x5a: {  	[tilespmem:s28+$0x300] =	vst @!p0 v3  }
0x5b: {  	[tilespmem:s28+$0x2300] =	vst @!p0 v3  }
0x5c: {  	[tilespmem:s28+$0x4300] =	vst @!p0 v3  }
0x5d: {  	[tilespmem:s28+$0x380] =	vst @!p0 v3  }
0x5e: {  	[tilespmem:s28+$0x2380] =	vst @!p0 v3  }
0x5f: {  	[tilespmem:s28+$0x4380] =	vst @!p0 v3  }
0x60: {  	[tilespmem:s28+$0x400] =	vst @!p0 v3  }
0x61: {  	[tilespmem:s28+$0x2400] =	vst @!p0 v3  }
0x62: {  	s30 =	simm.s32 $0x1;
	s29 =	simm.s32 $0x10;
	[tilespmem:s28+$0x4400] =	vst @!p0 v3  }
.LBB2_4:
0x63: {  	s31 =	sshrl.u32 s25, s30;
	[tilespmem:s28+$0x480] =	vst @!p0 v3;
	s0 =	smov.u32 s29;
	s29 =	sadd.s32 $0x10, s29  }
0x64: {  	s31 =	sand.u32 $0x1, s31;
	p1 =	sne.s32 s29, $0x200;
	[tilespmem:s28+$0x2480] =	vst @!p0 v3  }
0x65: {  	s26 =	sadd.s32 $0x80, s26;
	p2 =	seq.s32 s31, $0x0;
	[tilespmem:s28+$0x4480] =	vst @!p0 v3  }
0x66: {  	s0 =	sand.u32 @!p2 $0x70, s0;
	s31 =	sand.u32 @!p2 $0xC00, s26;
	[tilespmem:s28+$0x500] =	vst @!p0 v3  }
0x67: {  	[tilespmem:s28+$0x2500] =	vst @!p0 v3;
	v3 =	vimm.f32 @!p2 $6.999999880e-01;
	s28 =	sor.u32 @!p2 s0, s31;
	p0 =	por p2, p2  }
0x68: {  	[tilespmem:s28+$0x4500] =	vst @!p0 v3  }
0x69: {  	[tilespmem:s28+$0x180] =	vst @!p0 v3  }
0x6a: {  	[tilespmem:s28+$0x2180] =	vst @!p0 v3  }
0x6b: {  	[tilespmem:s28+$0x4180] =	vst @!p0 v3  }
0x6c: {  	[tilespmem:s28+$0x200] =	vst @!p0 v3  }
0x6d: {  	[tilespmem:s28+$0x2200] =	vst @!p0 v3  }
0x6e: {  	[tilespmem:s28+$0x4200] =	vst @!p0 v3  }
0x6f: {  	[tilespmem:s28+$0x280] =	vst @!p0 v3  }
0x70: {  	[tilespmem:s28+$0x2280] =	vst @!p0 v3  }
0x71: {  	[tilespmem:s28+$0x4280] =	vst @!p0 v3  }
0x72: {  	[tilespmem:s28+$0x300] =	vst @!p0 v3  }
0x73: {  	[tilespmem:s28+$0x2300] =	vst @!p0 v3  }
0x74: {  	[tilespmem:s28+$0x4300] =	vst @!p0 v3  }
0x75: {  	[tilespmem:s28+$0x380] =	vst @!p0 v3  }
.Ltmp1:
0x76: {  	[tilespmem:s28+$0x2380] =	vst @!p0 v3;
	(pc) =	sbr.rel @p1 .LBB2_4-.Ltmp1, $4  }
0x77: {  	[tilespmem:s28+$0x4380] =	vst @!p0 v3  }
0x78: {  	[tilespmem:s28+$0x400] =	vst @!p0 v3  }
0x79: {  	[tilespmem:s28+$0x2400] =	vst @!p0 v3  }
0x7a: {  	s30 =	sadd.s32 $0x1, s30;
	[tilespmem:s28+$0x4400] =	vst @!p0 v3  }
0x7b: {  	[tilespmem:s28+$0x480] =	vst @!p0 v3  }
0x7c: {  	[tilespmem:s28+$0x2480] =	vst @!p0 v3  }
0x7d: {  	[tilespmem:s28+$0x4480] =	vst @!p0 v3  }
0x7e: {  	[tilespmem:s28+$0x500] =	vst @!p0 v3  }
0x7f: {  	[tilespmem:s28+$0x2500] =	vst @!p0 v3;
	s26 =	simm.s32 $0x0  }
0x80: {  	[hbm4b:s6+s26] =	stream.linear.scatter [tilespmem:s13], [sflag:$0x2], $0x1000, $0x38;
	[tilespmem:$0x6180] =	vst v63  }
0x81: {  	s0 =	sadd.s32 $0x8000, s6  }
0x82: {  	[hbm4b:s0+s26] =	stream.linear.scatter [tilespmem:s14], [sflag:$0x2], $0x1000, $0x38;
	[tilespmem:$0x6180] =	vst v63  }
0x83: {  	s31 =	sadd.s32 $0x10000, s6  }
0x84: {  	[hbm4b:s31+s26] =	stream.linear.scatter [tilespmem:s15], [sflag:$0x2], $0x1000, $0x38;
	[tilespmem:$0x6180] =	vst v63  }
0x85: {  	s31 =	sshrl.u32 s25, $0x0  }
0x86: {  	s0 =	sand.u32 $0x1, s31  }
0x87: {  	_ =	swait.ge [sflag:s21], $0x3000;
	p0 =	seq.s32 s0, $0x0  }
0x88: {  	[sflag:s21] =	ssyncset.done $0x0;
	s0 =	sand.u32 @!p0 $0x70, s26;
	s28 =	sand.u32 @!p0 $0xC00, s26  }
0x89: {  	[sflag:s21] =	ssyncadd.s32 $0xFFFFD000;
	v3 =	vimm.f32 @!p0 $6.999999880e-01;
	s28 =	sor.u32 @!p0 s0, s28;
	p0 =	por p0, p0  }
0x8a: {  	[tilespmem:s28+$0x5500] =	vst @!p0 v3  }
0x8b: {  	[tilespmem:s28+$0x1180] =	vst @!p0 v3  }
0x8c: {  	[tilespmem:s28+$0x3180] =	vst @!p0 v3  }
0x8d: {  	[tilespmem:s28+$0x5180] =	vst @!p0 v3  }
0x8e: {  	[tilespmem:s28+$0x1200] =	vst @!p0 v3  }
0x8f: {  	[tilespmem:s28+$0x3200] =	vst @!p0 v3  }
0x90: {  	[tilespmem:s28+$0x5200] =	vst @!p0 v3  }
0x91: {  	[tilespmem:s28+$0x1280] =	vst @!p0 v3  }
0x92: {  	[tilespmem:s28+$0x3280] =	vst @!p0 v3  }
0x93: {  	[tilespmem:s28+$0x5280] =	vst @!p0 v3  }
0x94: {  	[tilespmem:s28+$0x1300] =	vst @!p0 v3  }
0x95: {  	[tilespmem:s28+$0x3300] =	vst @!p0 v3  }
0x96: {  	[tilespmem:s28+$0x5300] =	vst @!p0 v3  }
0x97: {  	[tilespmem:s28+$0x1380] =	vst @!p0 v3  }
0x98: {  	[tilespmem:s28+$0x3380] =	vst @!p0 v3  }
0x99: {  	[tilespmem:s28+$0x5380] =	vst @!p0 v3  }
0x9a: {  	[tilespmem:s28+$0x1400] =	vst @!p0 v3  }
0x9b: {  	[tilespmem:s28+$0x3400] =	vst @!p0 v3  }
0x9c: {  	s29 =	simm.s32 $0x10;
	s30 =	simm.s32 $0x1;
	[tilespmem:s28+$0x5400] =	vst @!p0 v3  }
.LBB2_6:
0x9d: {  	s0 =	sshrl.u32 s25, s30;
	[tilespmem:s28+$0x1480] =	vst @!p0 v3;
	s31 =	smov.u32 s29;
	s29 =	sadd.s32 $0x10, s29  }
0x9e: {  	s0 =	sand.u32 $0x1, s0;
	p1 =	sne.s32 s29, $0x200;
	[tilespmem:s28+$0x3480] =	vst @!p0 v3  }
0x9f: {  	s26 =	sadd.s32 $0x80, s26;
	p2 =	seq.s32 s0, $0x0;
	[tilespmem:s28+$0x5480] =	vst @!p0 v3  }
0xa0: {  	s0 =	sand.u32 @!p2 $0x70, s31;
	s31 =	sand.u32 @!p2 $0xC00, s26;
	[tilespmem:s28+$0x1500] =	vst @!p0 v3  }
0xa1: {  	[tilespmem:s28+$0x3500] =	vst @!p0 v3;
	v3 =	vimm.f32 @!p2 $6.999999880e-01;
	s28 =	sor.u32 @!p2 s0, s31;
	p0 =	por p2, p2  }
0xa2: {  	[tilespmem:s28+$0x5500] =	vst @!p0 v3  }
0xa3: {  	[tilespmem:s28+$0x1180] =	vst @!p0 v3  }
0xa4: {  	[tilespmem:s28+$0x3180] =	vst @!p0 v3  }
0xa5: {  	[tilespmem:s28+$0x5180] =	vst @!p0 v3  }
0xa6: {  	[tilespmem:s28+$0x1200] =	vst @!p0 v3  }
0xa7: {  	[tilespmem:s28+$0x3200] =	vst @!p0 v3  }
0xa8: {  	[tilespmem:s28+$0x5200] =	vst @!p0 v3  }
0xa9: {  	[tilespmem:s28+$0x1280] =	vst @!p0 v3  }
0xaa: {  	[tilespmem:s28+$0x3280] =	vst @!p0 v3  }
0xab: {  	[tilespmem:s28+$0x5280] =	vst @!p0 v3  }
0xac: {  	[tilespmem:s28+$0x1300] =	vst @!p0 v3  }
0xad: {  	[tilespmem:s28+$0x3300] =	vst @!p0 v3  }
0xae: {  	[tilespmem:s28+$0x5300] =	vst @!p0 v3  }
0xaf: {  	[tilespmem:s28+$0x1380] =	vst @!p0 v3  }
.Ltmp2:
0xb0: {  	[tilespmem:s28+$0x3380] =	vst @!p0 v3;
	(pc) =	sbr.rel @p1 .LBB2_6-.Ltmp2, $4  }
0xb1: {  	[tilespmem:s28+$0x5380] =	vst @!p0 v3  }
0xb2: {  	[tilespmem:s28+$0x1400] =	vst @!p0 v3  }
0xb3: {  	[tilespmem:s28+$0x3400] =	vst @!p0 v3  }
0xb4: {  	s30 =	sadd.s32 $0x1, s30;
	[tilespmem:s28+$0x5400] =	vst @!p0 v3  }
0xb5: {  	[tilespmem:s28+$0x1480] =	vst @!p0 v3  }
0xb6: {  	[tilespmem:s28+$0x3480] =	vst @!p0 v3  }
0xb7: {  	[tilespmem:s28+$0x5480] =	vst @!p0 v3  }
0xb8: {  	[tilespmem:s28+$0x1500] =	vst @!p0 v3  }
0xb9: {  	[tilespmem:s28+$0x3500] =	vst @!p0 v3  }
0xba: {  	[hbm4b:s7+s3] =	stream.linear.scatter [tilespmem:s16], [sflag:$0x4], $0x1000, $0x38;
	[tilespmem:$0x6180] =	vst v63  }
0xbb: {  	s0 =	sadd.s32 $0x8000, s7  }
0xbc: {  	[hbm4b:s0+s3] =	stream.linear.scatter [tilespmem:s17], [sflag:$0x4], $0x1000, $0x38;
	[tilespmem:$0x6180] =	vst v63  }
0xbd: {  	s31 =	sadd.s32 $0x10000, s7;
	s24 =	sadd.s32 $0x1, s24  }
0xbe: {  	[hbm4b:s31+s3] =	stream.linear.scatter [tilespmem:s18], [sflag:$0x4], $0x1000, $0x38;
	[tilespmem:$0x6180] =	vst v63  }
0xbf: {  	p0 =	sne.s32 s24, s8;
	_ =	swait.ge [sflag:s22], $0x3000  }
.Ltmp3:
0xc0: {  	[sflag:s22] =	ssyncset.done $0x0;
	(pc) =	sbr.rel @p0 .LBB2_1-.Ltmp3, $4  }
0xc1: {  	[sflag:s22] =	ssyncadd.s32 $0xFFFFD000  }
0xc2: {  	_ =	swait.ge [sflag:s23], $0x3000  }
0xc3: {  	[sflag:s23] =	ssyncset.done $0x0  }
0xc4: {  	[sflag:s23] =	ssyncadd.s32 $0xFFFFD000  }
0xc5: {  	_ =	sfence.sel $0x180000  }
0xc6: {  	[bflag:$0x0] =	sbarrier.arrive $0xFFFF  }
0xc7: {  	_ =	strace $0x90000047  }
0xc8: {  	[bflag:$0x2] =	sbarrier.arrive $0xFFFF  }
0xc9: {  	p0 =	sne.s32 s1, $0x0;
	s0 =	rddreg [dreg:$0x3]  }
0xca: {  	s0 =	sadd.s32 @!p0 $0x100000, s0  }
0xcb: {  	[sflag:s0] =	ssyncadd.tile.s32 @!p0 $0x1;
	_ =	shalt  }
.Lfunc_end2:
_tile_overlayer_lowered:
.L_overlay_start_2:
0xcc: {  	(tag) =	ssettag $0x2  }
0xcd: {  	s0 =	rddreg [dreg:$0x0];
	s2 =	stileid.u32  }
0xce: {  	s1 =	rddreg [dreg:$0x1];
	p0 =	sne.s32 s2, $0x0  }
0xcf: {  	s3 =	rddreg [dreg:$0x2];
	[bflag:$0x3] =	sbarrier.arrive $0xFFFF;
	s2 =	simm.s32 @!p0 $0x1C05  }
0xd0: {  	[timem:s3], [sflag:s2] =	dma.local @!p0 [hbm:s0], s1  }
0xd1: {  	s0 =	simm.s32 @!p0 $0x5  }
0xd2: {  	_ =	swait.ge @!p0 [sflag:s0], s1  }
0xd3: {  	s1 =	ssub.s32 @!p0 $0x0, s1;
	[sflag:s0] =	ssyncset.done @!p0 $0x0  }
0xd4: {  	[sflag:s0] =	ssyncadd.s32 @!p0 s1  }
0xd5: {  	[bflag:$0x3] =	sbarrier.arrive $0xFFFF  }
0xd6: {  	_ =	shalt  }

</sc_bundles>
